<compile_context>
chip_gen: v7x
topology: tpu7x:2x2x1
jax: 0.10.2.dev20260603
libtpu: 0.0.44.dev20260713+nightly
codegen_flags: <defaults>
</compile_context>

<pallas_src>
import functools

import jax
import jax.numpy as jnp
from jax import lax
from jax.experimental import pallas as pl
from jax.experimental.pallas import tpu as pltpu
from jax.experimental.pallas import tpu_sc as plsc

B = 16384
NCOV = 256

_info = plsc.get_sparse_core_info()
_NC = _info.num_cores
_NW = _info.num_cores * _info.num_subcores
_BPW = B // _NW
_ENT_PAD = 102400
_EPT = _ENT_PAD // 16


def _fe_gather(entity_fe, time_fe, entity_ids, time_ids):
    mesh = plsc.VectorSubcoreMesh(core_axis_name="c", subcore_axis_name="s")

    @functools.partial(
        pl.kernel,
        mesh=mesh,
        out_type=jax.ShapeDtypeStruct((B,), jnp.float32),
        scratch_types=[
            pltpu.VMEM((_BPW,), jnp.int32),
            pltpu.VMEM((_BPW,), jnp.int32),
            pltpu.VMEM((_BPW,), jnp.float32),
            pltpu.VMEM((_BPW,), jnp.float32),
            pltpu.VMEM_SHARED((_ENT_PAD,), jnp.float32),
            pltpu.VMEM_SHARED((256,), jnp.float32),
            pltpu.SemaphoreType.DMA,
            pltpu.SemaphoreType.DMA,
        ],
    )
    def k(ent_hbm, tim_hbm, eid_hbm, tid_hbm, out_hbm,
          eid_v, tid_v, ent_v, tim_v, ent_s, tim_s, sem_e, sem_t):
        cid = lax.axis_index("c")
        sid = lax.axis_index("s")
        wid = sid * _NC + cid
        base = wid * _BPW
        pltpu.sync_copy(ent_hbm.at[pl.ds(sid * _EPT, _EPT)],
                        ent_s.at[pl.ds(sid * _EPT, _EPT)])

        @pl.when(sid == 0)
        def _():
            pltpu.sync_copy(tim_hbm, tim_s)

        pltpu.sync_copy(eid_hbm.at[pl.ds(base, _BPW)], eid_v)
        pltpu.sync_copy(tid_hbm.at[pl.ds(base, _BPW)], tid_v)
        plsc.subcore_barrier()
        cp_e = pltpu.async_copy(ent_s.at[eid_v], ent_v, sem_e)
        cp_t = pltpu.async_copy(tim_s.at[tid_v], tim_v, sem_t)
        cp_e.wait()
        cp_t.wait()
        for i in range(_BPW // 16):
            sl = pl.ds(i * 16, 16)
            ent_v[sl] = ent_v[sl] + tim_v[sl]
        pltpu.sync_copy(ent_v, out_hbm.at[pl.ds(base, _BPW)])

    return k(entity_fe, time_fe, entity_ids, time_ids)


def _matvec(X, beta_row):
    BLK = 8192

    def body(x_ref, b_ref, o_ref):
        o_ref[...] = jax.lax.dot_general(
            b_ref[...], x_ref[...],
            (((1,), (1,)), ((), ())),
            preferred_element_type=jnp.float32,
        )[0]

    return pl.pallas_call(
        body,
        grid=(B // BLK,),
        in_specs=[
            pl.BlockSpec((BLK, NCOV), lambda i: (i, 0)),
            pl.BlockSpec((1, NCOV), lambda i: (0, 0)),
        ],
        out_specs=pl.BlockSpec((BLK,), lambda i: (i,)),
        out_shape=jax.ShapeDtypeStruct((B,), jnp.float32),
    )(X, beta_row)


def kernel(entity_ids, time_ids, X, entity_fe, time_fe, beta_w):
    eids = entity_ids.astype(jnp.int32)
    tids = time_ids.astype(jnp.int32)
    tim_pad = jnp.pad(time_fe.reshape(-1), (0, 256 - time_fe.shape[0]))
    ent_pad = jnp.pad(entity_fe.reshape(-1), (0, _ENT_PAD - entity_fe.shape[0]))
    fe = _fe_gather(ent_pad, tim_pad, eids, tids)
    pred = _matvec(X, beta_w)
    return pred + fe

# --- scband reference (transcript-rebuilt; emitter-appended) ---
"""Pipeline reference for scband-original-two-way-fenet-34179349741772 (READ-ONLY COPY).

The authoritative reference and input builder live on the scoring server;
editing this copy changes nothing except your own understanding.
"""

import jax, jax.numpy as jnp
import numpy as np

N_ENTITIES = 100000
N_PERIODS = 200
N_COV = 256
BATCH = 16384


def setup_inputs(seed: int = 0) -> dict:
    key = jax.random.key(seed)
    k1, k2, k3, k4, k5, k6 = jax.random.split(key, 6)
    entity_ids = jax.random.randint(k1, (BATCH,), 0, N_ENTITIES, dtype=jnp.int64) if jax.config.jax_enable_x64 else jax.random.randint(k1, (BATCH,), 0, N_ENTITIES, dtype=jnp.int32)
    time_ids = jax.random.randint(k2, (BATCH,), 0, N_PERIODS, dtype=jnp.int32)
    X = jax.random.normal(k3, (BATCH, N_COV), dtype=jnp.float32)
    # learned parameters, matching torch init: normal(mean=0, std=0.1)
    entity_fe = 0.1 * jax.random.normal(k4, (N_ENTITIES, 1), dtype=jnp.float32)
    time_fe = 0.1 * jax.random.normal(k5, (N_PERIODS, 1), dtype=jnp.float32)
    beta_w = 0.1 * jax.random.normal(k6, (1, N_COV), dtype=jnp.float32)  # nn.Linear weight [out, in]
    return {
        "entity_ids": entity_ids,
        "time_ids": time_ids,
        "X": X,
        "entity_fe": entity_fe,
        "time_fe": time_fe,
        "beta_w": beta_w,
    }


def reference(entity_ids, time_ids, X, entity_fe, time_fe, beta_w):
    # entity_effect = self.entity_fe(entity_ids).squeeze()
    entity_effect = jnp.take(entity_fe, entity_ids, axis=0).squeeze(-1)
    # time_effect = self.time_fe(time_ids).squeeze()
    time_effect = jnp.take(time_fe, time_ids, axis=0).squeeze(-1)
    # linear_pred = self.beta(X).squeeze() + entity_effect + time_effect
    linear_pred = (X @ beta_w.T).squeeze(-1) + entity_effect + time_effect
    return linear_pred

if __name__ == "__main__":
    import jax
    _d = setup_inputs()
    print(jax.jit(kernel)(*tuple(_d.values())))

</pallas_src>

<mosaic_0001>
#map = affine_map<(d0, d1) -> (0)>
module attributes {stable_mosaic.version = 14 : i64} {
  func.func @k(%arg0: i32, %arg1: i32, %arg2: memref<102400xf32, #tpu.memory_space<hbm>>, %arg3: memref<256xf32, #tpu.memory_space<hbm>>, %arg4: memref<16384xi32, #tpu.memory_space<hbm>>, %arg5: memref<16384xi32, #tpu.memory_space<hbm>>, %arg6: memref<16384xf32, #tpu.memory_space<hbm>>, %arg7: memref<512xi32, #tpu.memory_space<vmem>>, %arg8: memref<512xi32, #tpu.memory_space<vmem>>, %arg9: memref<512xf32, #tpu.memory_space<vmem>>, %arg10: memref<512xf32, #tpu.memory_space<vmem>>, %arg11: memref<102400xf32, #tpu.memory_space<vmem_shared>>, %arg12: memref<256xf32, #tpu.memory_space<vmem_shared>>, %arg13: memref<!tpu.dma_semaphore, #tpu.memory_space<semaphore_mem>>, %arg14: memref<!tpu.dma_semaphore, #tpu.memory_space<semaphore_mem>>) attributes {dimension_semantics = [#tpu.dimension_semantics<core_parallel>, #tpu.dimension_semantics<subcore_parallel>], iteration_bounds = array<i64: 2, 16>, scalar_prefetch = 0 : i64, scratch_operands = 8 : i64, tpu.core_type = #tpu.core_type<sc_vector_subcore>, window_params = [{transform_indices = #map}, {transform_indices = #map}, {transform_indices = #map}, {transform_indices = #map}, {transform_indices = #map}]} {
    %mul3A = arith.constant 2 : i32
    %mul3A_0 = arith.muli %arg1, %mul3A : i32
    %add3A = arith.addi %mul3A_0, %arg0 : i32
    %mul3A_1 = arith.constant 512 : i32
    %mul3A_2 = arith.muli %add3A, %mul3A_1 : i32
    %mul3A_3 = arith.constant 6400 : i32
    %mul3A_4 = arith.muli %arg1, %mul3A_3 : i32
    %mul3A_5 = arith.constant 6400 : i32
    %mul3A_6 = arith.muli %arg1, %mul3A_5 : i32
    "tpu.region"() ({
      %run_scoped3A = tpu.sem_alloc : memref<!tpu.dma_semaphore, #tpu.memory_space<semaphore_mem>>
      %dma_start3A_365 = tpu.memref_slice %arg11[%mul3A_6] : memref<102400xf32, #tpu.memory_space<vmem_shared>> -> memref<6400xf32, #tpu.memory_space<vmem_shared>>
      %dma_start3A_366 = tpu.memref_slice %arg2[%mul3A_4] : memref<102400xf32, #tpu.memory_space<hbm>> -> memref<6400xf32, #tpu.memory_space<hbm>>
      tpu.enqueue_dma source(%dma_start3A_366 : memref<6400xf32, #tpu.memory_space<hbm>>) target(%dma_start3A_365 : memref<6400xf32, #tpu.memory_space<vmem_shared>>) target_semaphore(%run_scoped3A : memref<!tpu.dma_semaphore, #tpu.memory_space<semaphore_mem>>)
      %dma_wait3A_367 = tpu.memref_slice %arg11[%mul3A_6] : memref<102400xf32, #tpu.memory_space<vmem_shared>> -> memref<6400xf32, #tpu.memory_space<vmem_shared>>
      %dma_wait3A_368 = tpu.memref_slice %arg2[%mul3A_4] : memref<102400xf32, #tpu.memory_space<hbm>> -> memref<6400xf32, #tpu.memory_space<hbm>>
      tpu.wait_dma2 semaphore(%run_scoped3A : memref<!tpu.dma_semaphore, #tpu.memory_space<semaphore_mem>>) src(%dma_wait3A_368 : memref<6400xf32, #tpu.memory_space<hbm>>) dst(%dma_wait3A_367 : memref<6400xf32, #tpu.memory_space<vmem_shared>>)
      tpu.yield
    }) : () -> ()
    %eq3A = arith.constant 0 : i32
    %eq3A_7 = arith.cmpi eq, %arg1, %eq3A : i32
    %convert_element_type3A = arith.extui %eq3A_7 : i1 to i32
    %cond3A = arith.constant 0 : i32
    %cond3A_8 = arith.cmpi ne, %convert_element_type3A, %cond3A : i32
    scf.if %cond3A_8 {
      "tpu.region"() ({
        %run_scoped3A = tpu.sem_alloc : memref<!tpu.dma_semaphore, #tpu.memory_space<semaphore_mem>>
        tpu.enqueue_dma source(%arg3 : memref<256xf32, #tpu.memory_space<hbm>>) target(%arg12 : memref<256xf32, #tpu.memory_space<vmem_shared>>) target_semaphore(%run_scoped3A : memref<!tpu.dma_semaphore, #tpu.memory_space<semaphore_mem>>)
        tpu.wait_dma2 semaphore(%run_scoped3A : memref<!tpu.dma_semaphore, #tpu.memory_space<semaphore_mem>>) src(%arg3 : memref<256xf32, #tpu.memory_space<hbm>>) dst(%arg12 : memref<256xf32, #tpu.memory_space<vmem_shared>>)
        tpu.yield
      }) : () -> ()
    } else {
    }
    "tpu.region"() ({
      %run_scoped3A = tpu.sem_alloc : memref<!tpu.dma_semaphore, #tpu.memory_space<semaphore_mem>>
      %dma_start3A_365 = tpu.memref_slice %arg4[%mul3A_2] : memref<16384xi32, #tpu.memory_space<hbm>> -> memref<512xi32, #tpu.memory_space<hbm>>
      %dma_start3A_366 = tpu.memref_slice %arg4[%mul3A_2] : memref<16384xi32, #tpu.memory_space<hbm>> -> memref<512xi32, #tpu.memory_space<hbm>>
      tpu.enqueue_dma source(%dma_start3A_366 : memref<512xi32, #tpu.memory_space<hbm>>) target(%arg7 : memref<512xi32, #tpu.memory_space<vmem>>) target_semaphore(%run_scoped3A : memref<!tpu.dma_semaphore, #tpu.memory_space<semaphore_mem>>)
      %dma_wait3A_367 = tpu.memref_slice %arg4[%mul3A_2] : memref<16384xi32, #tpu.memory_space<hbm>> -> memref<512xi32, #tpu.memory_space<hbm>>
      %dma_wait3A_368 = tpu.memref_slice %arg4[%mul3A_2] : memref<16384xi32, #tpu.memory_space<hbm>> -> memref<512xi32, #tpu.memory_space<hbm>>
      tpu.wait_dma2 semaphore(%run_scoped3A : memref<!tpu.dma_semaphore, #tpu.memory_space<semaphore_mem>>) src(%dma_wait3A_368 : memref<512xi32, #tpu.memory_space<hbm>>) dst(%arg7 : memref<512xi32, #tpu.memory_space<vmem>>)
      tpu.yield
    }) : () -> ()
    "tpu.region"() ({
      %run_scoped3A = tpu.sem_alloc : memref<!tpu.dma_semaphore, #tpu.memory_space<semaphore_mem>>
      %dma_start3A_365 = tpu.memref_slice %arg5[%mul3A_2] : memref<16384xi32, #tpu.memory_space<hbm>> -> memref<512xi32, #tpu.memory_space<hbm>>
      %dma_start3A_366 = tpu.memref_slice %arg5[%mul3A_2] : memref<16384xi32, #tpu.memory_space<hbm>> -> memref<512xi32, #tpu.memory_space<hbm>>
      tpu.enqueue_dma source(%dma_start3A_366 : memref<512xi32, #tpu.memory_space<hbm>>) target(%arg8 : memref<512xi32, #tpu.memory_space<vmem>>) target_semaphore(%run_scoped3A : memref<!tpu.dma_semaphore, #tpu.memory_space<semaphore_mem>>)
      %dma_wait3A_367 = tpu.memref_slice %arg5[%mul3A_2] : memref<16384xi32, #tpu.memory_space<hbm>> -> memref<512xi32, #tpu.memory_space<hbm>>
      %dma_wait3A_368 = tpu.memref_slice %arg5[%mul3A_2] : memref<16384xi32, #tpu.memory_space<hbm>> -> memref<512xi32, #tpu.memory_space<hbm>>
      tpu.wait_dma2 semaphore(%run_scoped3A : memref<!tpu.dma_semaphore, #tpu.memory_space<semaphore_mem>>) src(%dma_wait3A_368 : memref<512xi32, #tpu.memory_space<hbm>>) dst(%arg8 : memref<512xi32, #tpu.memory_space<vmem>>)
      tpu.yield
    }) : () -> ()
    %barrier3A = arith.constant 0 : index
    tpu.barrier barrier_id(%barrier3A)
    %dma_start3A = arith.constant 0 : i32
    %dma_start3A_9 = tpu.memref_slice %arg11[%dma_start3A] : memref<102400xf32, #tpu.memory_space<vmem_shared>> -> memref<102400xf32, #tpu.memory_space<vmem_shared>>
    tpu.enqueue_indirect_dma source(%dma_start3A_9 : memref<102400xf32, #tpu.memory_space<vmem_shared>>) target(%arg9 : memref<512xf32, #tpu.memory_space<vmem>>) offsets(%arg7 : memref<512xi32, #tpu.memory_space<vmem>>) semaphore(%arg13 : memref<!tpu.dma_semaphore, #tpu.memory_space<semaphore_mem>>)
    %dma_start3A_10 = arith.constant 0 : i32
    %dma_start3A_11 = tpu.memref_slice %arg12[%dma_start3A_10] : memref<256xf32, #tpu.memory_space<vmem_shared>> -> memref<256xf32, #tpu.memory_space<vmem_shared>>
    tpu.enqueue_indirect_dma source(%dma_start3A_11 : memref<256xf32, #tpu.memory_space<vmem_shared>>) target(%arg10 : memref<512xf32, #tpu.memory_space<vmem>>) offsets(%arg8 : memref<512xi32, #tpu.memory_space<vmem>>) semaphore(%arg14 : memref<!tpu.dma_semaphore, #tpu.memory_space<semaphore_mem>>)
    %dma_wait3A = arith.constant 0 : i32
    %dma_wait3A_12 = tpu.memref_slice %arg11[%dma_wait3A] : memref<102400xf32, #tpu.memory_space<vmem_shared>> -> memref<102400xf32, #tpu.memory_space<vmem_shared>>
    tpu.wait_indirect_dma semaphore(%arg13 : memref<!tpu.dma_semaphore, #tpu.memory_space<semaphore_mem>>) src(%dma_wait3A_12 : memref<102400xf32, #tpu.memory_space<vmem_shared>>) dst(%arg9 : memref<512xf32, #tpu.memory_space<vmem>>)
    %dma_wait3A_13 = arith.constant 0 : i32
    %dma_wait3A_14 = tpu.memref_slice %arg12[%dma_wait3A_13] : memref<256xf32, #tpu.memory_space<vmem_shared>> -> memref<256xf32, #tpu.memory_space<vmem_shared>>
    tpu.wait_indirect_dma semaphore(%arg14 : memref<!tpu.dma_semaphore, #tpu.memory_space<semaphore_mem>>) src(%dma_wait3A_14 : memref<256xf32, #tpu.memory_space<vmem_shared>>) dst(%arg10 : memref<512xf32, #tpu.memory_space<vmem>>)
    %get3A = arith.constant 0 : index
    %get3A_15 = tpu.vector_load %arg9[%get3A] {strides = array<i32>} : memref<512xf32, #tpu.memory_space<vmem>>, vector<16xf32>,
    %get3A_16 = vector.shape_cast %get3A_15 : vector<16xf32> to vector<16xf32>
    %get3A_17 = arith.constant 0 : index
    %get3A_18 = tpu.vector_load %arg10[%get3A_17] {strides = array<i32>} : memref<512xf32, #tpu.memory_space<vmem>>, vector<16xf32>,
    %get3A_19 = vector.shape_cast %get3A_18 : vector<16xf32> to vector<16xf32>
    %add3A_20 = arith.addf %get3A_16, %get3A_19 : vector<16xf32>
    %swap3A = arith.constant 0 : index
    %swap3A_21 = tpu.vector_load %arg9[%swap3A] {strides = array<i32>} : memref<512xf32, #tpu.memory_space<vmem>>, vector<16xf32>,
    %swap3A_22 = vector.shape_cast %swap3A_21 : vector<16xf32> to vector<16xf32>
    %swap3A_23 = vector.shape_cast %add3A_20 : vector<16xf32> to vector<16xf32>
    tpu.vector_store %arg9[%swap3A], %swap3A_23 {strides = array<i32>} : memref<512xf32, #tpu.memory_space<vmem>>, vector<16xf32>,
    %get3A_24 = arith.constant 16 : index
    %get3A_25 = tpu.vector_load %arg9[%get3A_24] {strides = array<i32>} : memref<512xf32, #tpu.memory_space<vmem>>, vector<16xf32>,
    %get3A_26 = vector.shape_cast %get3A_25 : vector<16xf32> to vector<16xf32>
    %get3A_27 = arith.constant 16 : index
    %get3A_28 = tpu.vector_load %arg10[%get3A_27] {strides = array<i32>} : memref<512xf32, #tpu.memory_space<vmem>>, vector<16xf32>,
    %get3A_29 = vector.shape_cast %get3A_28 : vector<16xf32> to vector<16xf32>
    %add3A_30 = arith.addf %get3A_26, %get3A_29 : vector<16xf32>
    %swap3A_31 = arith.constant 16 : index
    %swap3A_32 = tpu.vector_load %arg9[%swap3A_31] {strides = array<i32>} : memref<512xf32, #tpu.memory_space<vmem>>, vector<16xf32>,
    %swap3A_33 = vector.shape_cast %swap3A_32 : vector<16xf32> to vector<16xf32>
    %swap3A_34 = vector.shape_cast %add3A_30 : vector<16xf32> to vector<16xf32>
    tpu.vector_store %arg9[%swap3A_31], %swap3A_34 {strides = array<i32>} : memref<512xf32, #tpu.memory_space<vmem>>, vector<16xf32>,
    %get3A_35 = arith.constant 32 : index
    %get3A_36 = tpu.vector_load %arg9[%get3A_35] {strides = array<i32>} : memref<512xf32, #tpu.memory_space<vmem>>, vector<16xf32>,
    %get3A_37 = vector.shape_cast %get3A_36 : vector<16xf32> to vector<16xf32>
    %get3A_38 = arith.constant 32 : index
    %get3A_39 = tpu.vector_load %arg10[%get3A_38] {strides = array<i32>} : memref<512xf32, #tpu.memory_space<vmem>>, vector<16xf32>,
    %get3A_40 = vector.shape_cast %get3A_39 : vector<16xf32> to vector<16xf32>
    %add3A_41 = arith.addf %get3A_37, %get3A_40 : vector<16xf32>
    %swap3A_42 = arith.constant 32 : index
    %swap3A_43 = tpu.vector_load %arg9[%swap3A_42] {strides = array<i32>} : memref<512xf32, #tpu.memory_space<vmem>>, vector<16xf32>,
    %swap3A_44 = vector.shape_cast %swap3A_43 : vector<16xf32> to vector<16xf32>
    %swap3A_45 = vector.shape_cast %add3A_41 : vector<16xf32> to vector<16xf32>
    tpu.vector_store %arg9[%swap3A_42], %swap3A_45 {strides = array<i32>} : memref<512xf32, #tpu.memory_space<vmem>>, vector<16xf32>,
    %get3A_46 = arith.constant 48 : index
    %get3A_47 = tpu.vector_load %arg9[%get3A_46] {strides = array<i32>} : memref<512xf32, #tpu.memory_space<vmem>>, vector<16xf32>,
    %get3A_48 = vector.shape_cast %get3A_47 : vector<16xf32> to vector<16xf32>
    %get3A_49 = arith.constant 48 : index
    %get3A_50 = tpu.vector_load %arg10[%get3A_49] {strides = array<i32>} : memref<512xf32, #tpu.memory_space<vmem>>, vector<16xf32>,
    %get3A_51 = vector.shape_cast %get3A_50 : vector<16xf32> to vector<16xf32>
    %add3A_52 = arith.addf %get3A_48, %get3A_51 : vector<16xf32>
    %swap3A_53 = arith.constant 48 : index
    %swap3A_54 = tpu.vector_load %arg9[%swap3A_53] {strides = array<i32>} : memref<512xf32, #tpu.memory_space<vmem>>, vector<16xf32>,
    %swap3A_55 = vector.shape_cast %swap3A_54 : vector<16xf32> to vector<16xf32>
    %swap3A_56 = vector.shape_cast %add3A_52 : vector<16xf32> to vector<16xf32>
    tpu.vector_store %arg9[%swap3A_53], %swap3A_56 {strides = array<i32>} : memref<512xf32, #tpu.memory_space<vmem>>, vector<16xf32>,
    %get3A_57 = arith.constant 64 : index
    %get3A_58 = tpu.vector_load %arg9[%get3A_57] {strides = array<i32>} : memref<512xf32, #tpu.memory_space<vmem>>, vector<16xf32>,
    %get3A_59 = vector.shape_cast %get3A_58 : vector<16xf32> to vector<16xf32>
    %get3A_60 = arith.constant 64 : index
    %get3A_61 = tpu.vector_load %arg10[%get3A_60] {strides = array<i32>} : memref<512xf32, #tpu.memory_space<vmem>>, vector<16xf32>,
    %get3A_62 = vector.shape_cast %get3A_61 : vector<16xf32> to vector<16xf32>
    %add3A_63 = arith.addf %get3A_59, %get3A_62 : vector<16xf32>
    %swap3A_64 = arith.constant 64 : index
    %swap3A_65 = tpu.vector_load %arg9[%swap3A_64] {strides = array<i32>} : memref<512xf32, #tpu.memory_space<vmem>>, vector<16xf32>,
    %swap3A_66 = vector.shape_cast %swap3A_65 : vector<16xf32> to vector<16xf32>
    %swap3A_67 = vector.shape_cast %add3A_63 : vector<16xf32> to vector<16xf32>
    tpu.vector_store %arg9[%swap3A_64], %swap3A_67 {strides = array<i32>} : memref<512xf32, #tpu.memory_space<vmem>>, vector<16xf32>,
    %get3A_68 = arith.constant 80 : index
    %get3A_69 = tpu.vector_load %arg9[%get3A_68] {strides = array<i32>} : memref<512xf32, #tpu.memory_space<vmem>>, vector<16xf32>,
    %get3A_70 = vector.shape_cast %get3A_69 : vector<16xf32> to vector<16xf32>
    %get3A_71 = arith.constant 80 : index
    %get3A_72 = tpu.vector_load %arg10[%get3A_71] {strides = array<i32>} : memref<512xf32, #tpu.memory_space<vmem>>, vector<16xf32>,
    %get3A_73 = vector.shape_cast %get3A_72 : vector<16xf32> to vector<16xf32>
    %add3A_74 = arith.addf %get3A_70, %get3A_73 : vector<16xf32>
    %swap3A_75 = arith.constant 80 : index
    %swap3A_76 = tpu.vector_load %arg9[%swap3A_75] {strides = array<i32>} : memref<512xf32, #tpu.memory_space<vmem>>, vector<16xf32>,
    %swap3A_77 = vector.shape_cast %swap3A_76 : vector<16xf32> to vector<16xf32>
    %swap3A_78 = vector.shape_cast %add3A_74 : vector<16xf32> to vector<16xf32>
    tpu.vector_store %arg9[%swap3A_75], %swap3A_78 {strides = array<i32>} : memref<512xf32, #tpu.memory_space<vmem>>, vector<16xf32>,
    %get3A_79 = arith.constant 96 : index
    %get3A_80 = tpu.vector_load %arg9[%get3A_79] {strides = array<i32>} : memref<512xf32, #tpu.memory_space<vmem>>, vector<16xf32>,
    %get3A_81 = vector.shape_cast %get3A_80 : vector<16xf32> to vector<16xf32>
    %get3A_82 = arith.constant 96 : index
    %get3A_83 = tpu.vector_load %arg10[%get3A_82] {strides = array<i32>} : memref<512xf32, #tpu.memory_space<vmem>>, vector<16xf32>,
    %get3A_84 = vector.shape_cast %get3A_83 : vector<16xf32> to vector<16xf32>
    %add3A_85 = arith.addf %get3A_81, %get3A_84 : vector<16xf32>
    %swap3A_86 = arith.constant 96 : index
    %swap3A_87 = tpu.vector_load %arg9[%swap3A_86] {strides = array<i32>} : memref<512xf32, #tpu.memory_space<vmem>>, vector<16xf32>,
    %swap3A_88 = vector.shape_cast %swap3A_87 : vector<16xf32> to vector<16xf32>
    %swap3A_89 = vector.shape_cast %add3A_85 : vector<16xf32> to vector<16xf32>
    tpu.vector_store %arg9[%swap3A_86], %swap3A_89 {strides = array<i32>} : memref<512xf32, #tpu.memory_space<vmem>>, vector<16xf32>,
    %get3A_90 = arith.constant 112 : index
    %get3A_91 = tpu.vector_load %arg9[%get3A_90] {strides = array<i32>} : memref<512xf32, #tpu.memory_space<vmem>>, vector<16xf32>,
    %get3A_92 = vector.shape_cast %get3A_91 : vector<16xf32> to vector<16xf32>
    %get3A_93 = arith.constant 112 : index
    %get3A_94 = tpu.vector_load %arg10[%get3A_93] {strides = array<i32>} : memref<512xf32, #tpu.memory_space<vmem>>, vector<16xf32>,
    %get3A_95 = vector.shape_cast %get3A_94 : vector<16xf32> to vector<16xf32>
    %add3A_96 = arith.addf %get3A_92, %get3A_95 : vector<16xf32>
    %swap3A_97 = arith.constant 112 : index
    %swap3A_98 = tpu.vector_load %arg9[%swap3A_97] {strides = array<i32>} : memref<512xf32, #tpu.memory_space<vmem>>, vector<16xf32>,
    %swap3A_99 = vector.shape_cast %swap3A_98 : vector<16xf32> to vector<16xf32>
    %swap3A_100 = vector.shape_cast %add3A_96 : vector<16xf32> to vector<16xf32>
    tpu.vector_store %arg9[%swap3A_97], %swap3A_100 {strides = array<i32>} : memref<512xf32, #tpu.memory_space<vmem>>, vector<16xf32>,
    %get3A_101 = arith.constant 128 : index
    %get3A_102 = tpu.vector_load %arg9[%get3A_101] {strides = array<i32>} : memref<512xf32, #tpu.memory_space<vmem>>, vector<16xf32>,
    %get3A_103 = vector.shape_cast %get3A_102 : vector<16xf32> to vector<16xf32>
    %get3A_104 = arith.constant 128 : index
    %get3A_105 = tpu.vector_load %arg10[%get3A_104] {strides = array<i32>} : memref<512xf32, #tpu.memory_space<vmem>>, vector<16xf32>,
    %get3A_106 = vector.shape_cast %get3A_105 : vector<16xf32> to vector<16xf32>
    %add3A_107 = arith.addf %get3A_103, %get3A_106 : vector<16xf32>
    %swap3A_108 = arith.constant 128 : index
    %swap3A_109 = tpu.vector_load %arg9[%swap3A_108] {strides = array<i32>} : memref<512xf32, #tpu.memory_space<vmem>>, vector<16xf32>,
    %swap3A_110 = vector.shape_cast %swap3A_109 : vector<16xf32> to vector<16xf32>
    %swap3A_111 = vector.shape_cast %add3A_107 : vector<16xf32> to vector<16xf32>
    tpu.vector_store %arg9[%swap3A_108], %swap3A_111 {strides = array<i32>} : memref<512xf32, #tpu.memory_space<vmem>>, vector<16xf32>,
    %get3A_112 = arith.constant 144 : index
    %get3A_113 = tpu.vector_load %arg9[%get3A_112] {strides = array<i32>} : memref<512xf32, #tpu.memory_space<vmem>>, vector<16xf32>,
    %get3A_114 = vector.shape_cast %get3A_113 : vector<16xf32> to vector<16xf32>
    %get3A_115 = arith.constant 144 : index
    %get3A_116 = tpu.vector_load %arg10[%get3A_115] {strides = array<i32>} : memref<512xf32, #tpu.memory_space<vmem>>, vector<16xf32>,
    %get3A_117 = vector.shape_cast %get3A_116 : vector<16xf32> to vector<16xf32>
    %add3A_118 = arith.addf %get3A_114, %get3A_117 : vector<16xf32>
    %swap3A_119 = arith.constant 144 : index
    %swap3A_120 = tpu.vector_load %arg9[%swap3A_119] {strides = array<i32>} : memref<512xf32, #tpu.memory_space<vmem>>, vector<16xf32>,
    %swap3A_121 = vector.shape_cast %swap3A_120 : vector<16xf32> to vector<16xf32>
    %swap3A_122 = vector.shape_cast %add3A_118 : vector<16xf32> to vector<16xf32>
    tpu.vector_store %arg9[%swap3A_119], %swap3A_122 {strides = array<i32>} : memref<512xf32, #tpu.memory_space<vmem>>, vector<16xf32>,
    %get3A_123 = arith.constant 160 : index
    %get3A_124 = tpu.vector_load %arg9[%get3A_123] {strides = array<i32>} : memref<512xf32, #tpu.memory_space<vmem>>, vector<16xf32>,
    %get3A_125 = vector.shape_cast %get3A_124 : vector<16xf32> to vector<16xf32>
    %get3A_126 = arith.constant 160 : index
    %get3A_127 = tpu.vector_load %arg10[%get3A_126] {strides = array<i32>} : memref<512xf32, #tpu.memory_space<vmem>>, vector<16xf32>,
    %get3A_128 = vector.shape_cast %get3A_127 : vector<16xf32> to vector<16xf32>
    %add3A_129 = arith.addf %get3A_125, %get3A_128 : vector<16xf32>
    %swap3A_130 = arith.constant 160 : index
    %swap3A_131 = tpu.vector_load %arg9[%swap3A_130] {strides = array<i32>} : memref<512xf32, #tpu.memory_space<vmem>>, vector<16xf32>,
    %swap3A_132 = vector.shape_cast %swap3A_131 : vector<16xf32> to vector<16xf32>
    %swap3A_133 = vector.shape_cast %add3A_129 : vector<16xf32> to vector<16xf32>
    tpu.vector_store %arg9[%swap3A_130], %swap3A_133 {strides = array<i32>} : memref<512xf32, #tpu.memory_space<vmem>>, vector<16xf32>,
    %get3A_134 = arith.constant 176 : index
    %get3A_135 = tpu.vector_load %arg9[%get3A_134] {strides = array<i32>} : memref<512xf32, #tpu.memory_space<vmem>>, vector<16xf32>,
    %get3A_136 = vector.shape_cast %get3A_135 : vector<16xf32> to vector<16xf32>
    %get3A_137 = arith.constant 176 : index
    %get3A_138 = tpu.vector_load %arg10[%get3A_137] {strides = array<i32>} : memref<512xf32, #tpu.memory_space<vmem>>, vector<16xf32>,
    %get3A_139 = vector.shape_cast %get3A_138 : vector<16xf32> to vector<16xf32>
    %add3A_140 = arith.addf %get3A_136, %get3A_139 : vector<16xf32>
    %swap3A_141 = arith.constant 176 : index
    %swap3A_142 = tpu.vector_load %arg9[%swap3A_141] {strides = array<i32>} : memref<512xf32, #tpu.memory_space<vmem>>, vector<16xf32>,
    %swap3A_143 = vector.shape_cast %swap3A_142 : vector<16xf32> to vector<16xf32>
    %swap3A_144 = vector.shape_cast %add3A_140 : vector<16xf32> to vector<16xf32>
    tpu.vector_store %arg9[%swap3A_141], %swap3A_144 {strides = array<i32>} : memref<512xf32, #tpu.memory_space<vmem>>, vector<16xf32>,
    %get3A_145 = arith.constant 192 : index
    %get3A_146 = tpu.vector_load %arg9[%get3A_145] {strides = array<i32>} : memref<512xf32, #tpu.memory_space<vmem>>, vector<16xf32>,
    %get3A_147 = vector.shape_cast %get3A_146 : vector<16xf32> to vector<16xf32>
    %get3A_148 = arith.constant 192 : index
    %get3A_149 = tpu.vector_load %arg10[%get3A_148] {strides = array<i32>} : memref<512xf32, #tpu.memory_space<vmem>>, vector<16xf32>,
    %get3A_150 = vector.shape_cast %get3A_149 : vector<16xf32> to vector<16xf32>
    %add3A_151 = arith.addf %get3A_147, %get3A_150 : vector<16xf32>
    %swap3A_152 = arith.constant 192 : index
    %swap3A_153 = tpu.vector_load %arg9[%swap3A_152] {strides = array<i32>} : memref<512xf32, #tpu.memory_space<vmem>>, vector<16xf32>,
    %swap3A_154 = vector.shape_cast %swap3A_153 : vector<16xf32> to vector<16xf32>
    %swap3A_155 = vector.shape_cast %add3A_151 : vector<16xf32> to vector<16xf32>
    tpu.vector_store %arg9[%swap3A_152], %swap3A_155 {strides = array<i32>} : memref<512xf32, #tpu.memory_space<vmem>>, vector<16xf32>,
    %get3A_156 = arith.constant 208 : index
    %get3A_157 = tpu.vector_load %arg9[%get3A_156] {strides = array<i32>} : memref<512xf32, #tpu.memory_space<vmem>>, vector<16xf32>,
    %get3A_158 = vector.shape_cast %get3A_157 : vector<16xf32> to vector<16xf32>
    %get3A_159 = arith.constant 208 : index
    %get3A_160 = tpu.vector_load %arg10[%get3A_159] {strides = array<i32>} : memref<512xf32, #tpu.memory_space<vmem>>, vector<16xf32>,
    %get3A_161 = vector.shape_cast %get3A_160 : vector<16xf32> to vector<16xf32>
    %add3A_162 = arith.addf %get3A_158, %get3A_161 : vector<16xf32>
    %swap3A_163 = arith.constant 208 : index
    %swap3A_164 = tpu.vector_load %arg9[%swap3A_163] {strides = array<i32>} : memref<512xf32, #tpu.memory_space<vmem>>, vector<16xf32>,
    %swap3A_165 = vector.shape_cast %swap3A_164 : vector<16xf32> to vector<16xf32>
    %swap3A_166 = vector.shape_cast %add3A_162 : vector<16xf32> to vector<16xf32>
    tpu.vector_store %arg9[%swap3A_163], %swap3A_166 {strides = array<i32>} : memref<512xf32, #tpu.memory_space<vmem>>, vector<16xf32>,
    %get3A_167 = arith.constant 224 : index
    %get3A_168 = tpu.vector_load %arg9[%get3A_167] {strides = array<i32>} : memref<512xf32, #tpu.memory_space<vmem>>, vector<16xf32>,
    %get3A_169 = vector.shape_cast %get3A_168 : vector<16xf32> to vector<16xf32>
    %get3A_170 = arith.constant 224 : index
    %get3A_171 = tpu.vector_load %arg10[%get3A_170] {strides = array<i32>} : memref<512xf32, #tpu.memory_space<vmem>>, vector<16xf32>,
    %get3A_172 = vector.shape_cast %get3A_171 : vector<16xf32> to vector<16xf32>
    %add3A_173 = arith.addf %get3A_169, %get3A_172 : vector<16xf32>
    %swap3A_174 = arith.constant 224 : index
    %swap3A_175 = tpu.vector_load %arg9[%swap3A_174] {strides = array<i32>} : memref<512xf32, #tpu.memory_space<vmem>>, vector<16xf32>,
    %swap3A_176 = vector.shape_cast %swap3A_175 : vector<16xf32> to vector<16xf32>
    %swap3A_177 = vector.shape_cast %add3A_173 : vector<16xf32> to vector<16xf32>
    tpu.vector_store %arg9[%swap3A_174], %swap3A_177 {strides = array<i32>} : memref<512xf32, #tpu.memory_space<vmem>>, vector<16xf32>,
    %get3A_178 = arith.constant 240 : index
    %get3A_179 = tpu.vector_load %arg9[%get3A_178] {strides = array<i32>} : memref<512xf32, #tpu.memory_space<vmem>>, vector<16xf32>,
    %get3A_180 = vector.shape_cast %get3A_179 : vector<16xf32> to vector<16xf32>
    %get3A_181 = arith.constant 240 : index
    %get3A_182 = tpu.vector_load %arg10[%get3A_181] {strides = array<i32>} : memref<512xf32, #tpu.memory_space<vmem>>, vector<16xf32>,
    %get3A_183 = vector.shape_cast %get3A_182 : vector<16xf32> to vector<16xf32>
    %add3A_184 = arith.addf %get3A_180, %get3A_183 : vector<16xf32>
    %swap3A_185 = arith.constant 240 : index
    %swap3A_186 = tpu.vector_load %arg9[%swap3A_185] {strides = array<i32>} : memref<512xf32, #tpu.memory_space<vmem>>, vector<16xf32>,
    %swap3A_187 = vector.shape_cast %swap3A_186 : vector<16xf32> to vector<16xf32>
    %swap3A_188 = vector.shape_cast %add3A_184 : vector<16xf32> to vector<16xf32>
    tpu.vector_store %arg9[%swap3A_185], %swap3A_188 {strides = array<i32>} : memref<512xf32, #tpu.memory_space<vmem>>, vector<16xf32>,
    %get3A_189 = arith.constant 256 : index
    %get3A_190 = tpu.vector_load %arg9[%get3A_189] {strides = array<i32>} : memref<512xf32, #tpu.memory_space<vmem>>, vector<16xf32>,
    %get3A_191 = vector.shape_cast %get3A_190 : vector<16xf32> to vector<16xf32>
    %get3A_192 = arith.constant 256 : index
    %get3A_193 = tpu.vector_load %arg10[%get3A_192] {strides = array<i32>} : memref<512xf32, #tpu.memory_space<vmem>>, vector<16xf32>,
    %get3A_194 = vector.shape_cast %get3A_193 : vector<16xf32> to vector<16xf32>
    %add3A_195 = arith.addf %get3A_191, %get3A_194 : vector<16xf32>
    %swap3A_196 = arith.constant 256 : index
    %swap3A_197 = tpu.vector_load %arg9[%swap3A_196] {strides = array<i32>} : memref<512xf32, #tpu.memory_space<vmem>>, vector<16xf32>,
    %swap3A_198 = vector.shape_cast %swap3A_197 : vector<16xf32> to vector<16xf32>
    %swap3A_199 = vector.shape_cast %add3A_195 : vector<16xf32> to vector<16xf32>
    tpu.vector_store %arg9[%swap3A_196], %swap3A_199 {strides = array<i32>} : memref<512xf32, #tpu.memory_space<vmem>>, vector<16xf32>,
    %get3A_200 = arith.constant 272 : index
    %get3A_201 = tpu.vector_load %arg9[%get3A_200] {strides = array<i32>} : memref<512xf32, #tpu.memory_space<vmem>>, vector<16xf32>,
    %get3A_202 = vector.shape_cast %get3A_201 : vector<16xf32> to vector<16xf32>
    %get3A_203 = arith.constant 272 : index
    %get3A_204 = tpu.vector_load %arg10[%get3A_203] {strides = array<i32>} : memref<512xf32, #tpu.memory_space<vmem>>, vector<16xf32>,
    %get3A_205 = vector.shape_cast %get3A_204 : vector<16xf32> to vector<16xf32>
    %add3A_206 = arith.addf %get3A_202, %get3A_205 : vector<16xf32>
    %swap3A_207 = arith.constant 272 : index
    %swap3A_208 = tpu.vector_load %arg9[%swap3A_207] {strides = array<i32>} : memref<512xf32, #tpu.memory_space<vmem>>, vector<16xf32>,
    %swap3A_209 = vector.shape_cast %swap3A_208 : vector<16xf32> to vector<16xf32>
    %swap3A_210 = vector.shape_cast %add3A_206 : vector<16xf32> to vector<16xf32>
    tpu.vector_store %arg9[%swap3A_207], %swap3A_210 {strides = array<i32>} : memref<512xf32, #tpu.memory_space<vmem>>, vector<16xf32>,
    %get3A_211 = arith.constant 288 : index
    %get3A_212 = tpu.vector_load %arg9[%get3A_211] {strides = array<i32>} : memref<512xf32, #tpu.memory_space<vmem>>, vector<16xf32>,
    %get3A_213 = vector.shape_cast %get3A_212 : vector<16xf32> to vector<16xf32>
    %get3A_214 = arith.constant 288 : index
    %get3A_215 = tpu.vector_load %arg10[%get3A_214] {strides = array<i32>} : memref<512xf32, #tpu.memory_space<vmem>>, vector<16xf32>,
    %get3A_216 = vector.shape_cast %get3A_215 : vector<16xf32> to vector<16xf32>
    %add3A_217 = arith.addf %get3A_213, %get3A_216 : vector<16xf32>
    %swap3A_218 = arith.constant 288 : index
    %swap3A_219 = tpu.vector_load %arg9[%swap3A_218] {strides = array<i32>} : memref<512xf32, #tpu.memory_space<vmem>>, vector<16xf32>,
    %swap3A_220 = vector.shape_cast %swap3A_219 : vector<16xf32> to vector<16xf32>
    %swap3A_221 = vector.shape_cast %add3A_217 : vector<16xf32> to vector<16xf32>
    tpu.vector_store %arg9[%swap3A_218], %swap3A_221 {strides = array<i32>} : memref<512xf32, #tpu.memory_space<vmem>>, vector<16xf32>,
    %get3A_222 = arith.constant 304 : index
    %get3A_223 = tpu.vector_load %arg9[%get3A_222] {strides = array<i32>} : memref<512xf32, #tpu.memory_space<vmem>>, vector<16xf32>,
    %get3A_224 = vector.shape_cast %get3A_223 : vector<16xf32> to vector<16xf32>
    %get3A_225 = arith.constant 304 : index
    %get3A_226 = tpu.vector_load %arg10[%get3A_225] {strides = array<i32>} : memref<512xf32, #tpu.memory_space<vmem>>, vector<16xf32>,
    %get3A_227 = vector.shape_cast %get3A_226 : vector<16xf32> to vector<16xf32>
    %add3A_228 = arith.addf %get3A_224, %get3A_227 : vector<16xf32>
    %swap3A_229 = arith.constant 304 : index
    %swap3A_230 = tpu.vector_load %arg9[%swap3A_229] {strides = array<i32>} : memref<512xf32, #tpu.memory_space<vmem>>, vector<16xf32>,
    %swap3A_231 = vector.shape_cast %swap3A_230 : vector<16xf32> to vector<16xf32>
    %swap3A_232 = vector.shape_cast %add3A_228 : vector<16xf32> to vector<16xf32>
    tpu.vector_store %arg9[%swap3A_229], %swap3A_232 {strides = array<i32>} : memref<512xf32, #tpu.memory_space<vmem>>, vector<16xf32>,
    %get3A_233 = arith.constant 320 : index
    %get3A_234 = tpu.vector_load %arg9[%get3A_233] {strides = array<i32>} : memref<512xf32, #tpu.memory_space<vmem>>, vector<16xf32>,
    %get3A_235 = vector.shape_cast %get3A_234 : vector<16xf32> to vector<16xf32>
    %get3A_236 = arith.constant 320 : index
    %get3A_237 = tpu.vector_load %arg10[%get3A_236] {strides = array<i32>} : memref<512xf32, #tpu.memory_space<vmem>>, vector<16xf32>,
    %get3A_238 = vector.shape_cast %get3A_237 : vector<16xf32> to vector<16xf32>
    %add3A_239 = arith.addf %get3A_235, %get3A_238 : vector<16xf32>
    %swap3A_240 = arith.constant 320 : index
    %swap3A_241 = tpu.vector_load %arg9[%swap3A_240] {strides = array<i32>} : memref<512xf32, #tpu.memory_space<vmem>>, vector<16xf32>,
    %swap3A_242 = vector.shape_cast %swap3A_241 : vector<16xf32> to vector<16xf32>
    %swap3A_243 = vector.shape_cast %add3A_239 : vector<16xf32> to vector<16xf32>
    tpu.vector_store %arg9[%swap3A_240], %swap3A_243 {strides = array<i32>} : memref<512xf32, #tpu.memory_space<vmem>>, vector<16xf32>,
    %get3A_244 = arith.constant 336 : index
    %get3A_245 = tpu.vector_load %arg9[%get3A_244] {strides = array<i32>} : memref<512xf32, #tpu.memory_space<vmem>>, vector<16xf32>,
    %get3A_246 = vector.shape_cast %get3A_245 : vector<16xf32> to vector<16xf32>
    %get3A_247 = arith.constant 336 : index
    %get3A_248 = tpu.vector_load %arg10[%get3A_247] {strides = array<i32>} : memref<512xf32, #tpu.memory_space<vmem>>, vector<16xf32>,
    %get3A_249 = vector.shape_cast %get3A_248 : vector<16xf32> to vector<16xf32>
    %add3A_250 = arith.addf %get3A_246, %get3A_249 : vector<16xf32>
    %swap3A_251 = arith.constant 336 : index
    %swap3A_252 = tpu.vector_load %arg9[%swap3A_251] {strides = array<i32>} : memref<512xf32, #tpu.memory_space<vmem>>, vector<16xf32>,
    %swap3A_253 = vector.shape_cast %swap3A_252 : vector<16xf32> to vector<16xf32>
    %swap3A_254 = vector.shape_cast %add3A_250 : vector<16xf32> to vector<16xf32>
    tpu.vector_store %arg9[%swap3A_251], %swap3A_254 {strides = array<i32>} : memref<512xf32, #tpu.memory_space<vmem>>, vector<16xf32>,
    %get3A_255 = arith.constant 352 : index
    %get3A_256 = tpu.vector_load %arg9[%get3A_255] {strides = array<i32>} : memref<512xf32, #tpu.memory_space<vmem>>, vector<16xf32>,
    %get3A_257 = vector.shape_cast %get3A_256 : vector<16xf32> to vector<16xf32>
    %get3A_258 = arith.constant 352 : index
    %get3A_259 = tpu.vector_load %arg10[%get3A_258] {strides = array<i32>} : memref<512xf32, #tpu.memory_space<vmem>>, vector<16xf32>,
    %get3A_260 = vector.shape_cast %get3A_259 : vector<16xf32> to vector<16xf32>
    %add3A_261 = arith.addf %get3A_257, %get3A_260 : vector<16xf32>
    %swap3A_262 = arith.constant 352 : index
    %swap3A_263 = tpu.vector_load %arg9[%swap3A_262] {strides = array<i32>} : memref<512xf32, #tpu.memory_space<vmem>>, vector<16xf32>,
    %swap3A_264 = vector.shape_cast %swap3A_263 : vector<16xf32> to vector<16xf32>
    %swap3A_265 = vector.shape_cast %add3A_261 : vector<16xf32> to vector<16xf32>
    tpu.vector_store %arg9[%swap3A_262], %swap3A_265 {strides = array<i32>} : memref<512xf32, #tpu.memory_space<vmem>>, vector<16xf32>,
    %get3A_266 = arith.constant 368 : index
    %get3A_267 = tpu.vector_load %arg9[%get3A_266] {strides = array<i32>} : memref<512xf32, #tpu.memory_space<vmem>>, vector<16xf32>,
    %get3A_268 = vector.shape_cast %get3A_267 : vector<16xf32> to vector<16xf32>
    %get3A_269 = arith.constant 368 : index
    %get3A_270 = tpu.vector_load %arg10[%get3A_269] {strides = array<i32>} : memref<512xf32, #tpu.memory_space<vmem>>, vector<16xf32>,
    %get3A_271 = vector.shape_cast %get3A_270 : vector<16xf32> to vector<16xf32>
    %add3A_272 = arith.addf %get3A_268, %get3A_271 : vector<16xf32>
    %swap3A_273 = arith.constant 368 : index
    %swap3A_274 = tpu.vector_load %arg9[%swap3A_273] {strides = array<i32>} : memref<512xf32, #tpu.memory_space<vmem>>, vector<16xf32>,
    %swap3A_275 = vector.shape_cast %swap3A_274 : vector<16xf32> to vector<16xf32>
    %swap3A_276 = vector.shape_cast %add3A_272 : vector<16xf32> to vector<16xf32>
    tpu.vector_store %arg9[%swap3A_273], %swap3A_276 {strides = array<i32>} : memref<512xf32, #tpu.memory_space<vmem>>, vector<16xf32>,
    %get3A_277 = arith.constant 384 : index
    %get3A_278 = tpu.vector_load %arg9[%get3A_277] {strides = array<i32>} : memref<512xf32, #tpu.memory_space<vmem>>, vector<16xf32>,
    %get3A_279 = vector.shape_cast %get3A_278 : vector<16xf32> to vector<16xf32>
    %get3A_280 = arith.constant 384 : index
    %get3A_281 = tpu.vector_load %arg10[%get3A_280] {strides = array<i32>} : memref<512xf32, #tpu.memory_space<vmem>>, vector<16xf32>,
    %get3A_282 = vector.shape_cast %get3A_281 : vector<16xf32> to vector<16xf32>
    %add3A_283 = arith.addf %get3A_279, %get3A_282 : vector<16xf32>
    %swap3A_284 = arith.constant 384 : index
    %swap3A_285 = tpu.vector_load %arg9[%swap3A_284] {strides = array<i32>} : memref<512xf32, #tpu.memory_space<vmem>>, vector<16xf32>,
    %swap3A_286 = vector.shape_cast %swap3A_285 : vector<16xf32> to vector<16xf32>
    %swap3A_287 = vector.shape_cast %add3A_283 : vector<16xf32> to vector<16xf32>
    tpu.vector_store %arg9[%swap3A_284], %swap3A_287 {strides = array<i32>} : memref<512xf32, #tpu.memory_space<vmem>>, vector<16xf32>,
    %get3A_288 = arith.constant 400 : index
    %get3A_289 = tpu.vector_load %arg9[%get3A_288] {strides = array<i32>} : memref<512xf32, #tpu.memory_space<vmem>>, vector<16xf32>,
    %get3A_290 = vector.shape_cast %get3A_289 : vector<16xf32> to vector<16xf32>
    %get3A_291 = arith.constant 400 : index
    %get3A_292 = tpu.vector_load %arg10[%get3A_291] {strides = array<i32>} : memref<512xf32, #tpu.memory_space<vmem>>, vector<16xf32>,
    %get3A_293 = vector.shape_cast %get3A_292 : vector<16xf32> to vector<16xf32>
    %add3A_294 = arith.addf %get3A_290, %get3A_293 : vector<16xf32>
    %swap3A_295 = arith.constant 400 : index
    %swap3A_296 = tpu.vector_load %arg9[%swap3A_295] {strides = array<i32>} : memref<512xf32, #tpu.memory_space<vmem>>, vector<16xf32>,
    %swap3A_297 = vector.shape_cast %swap3A_296 : vector<16xf32> to vector<16xf32>
    %swap3A_298 = vector.shape_cast %add3A_294 : vector<16xf32> to vector<16xf32>
    tpu.vector_store %arg9[%swap3A_295], %swap3A_298 {strides = array<i32>} : memref<512xf32, #tpu.memory_space<vmem>>, vector<16xf32>,
    %get3A_299 = arith.constant 416 : index
    %get3A_300 = tpu.vector_load %arg9[%get3A_299] {strides = array<i32>} : memref<512xf32, #tpu.memory_space<vmem>>, vector<16xf32>,
    %get3A_301 = vector.shape_cast %get3A_300 : vector<16xf32> to vector<16xf32>
    %get3A_302 = arith.constant 416 : index
    %get3A_303 = tpu.vector_load %arg10[%get3A_302] {strides = array<i32>} : memref<512xf32, #tpu.memory_space<vmem>>, vector<16xf32>,
    %get3A_304 = vector.shape_cast %get3A_303 : vector<16xf32> to vector<16xf32>
    %add3A_305 = arith.addf %get3A_301, %get3A_304 : vector<16xf32>
    %swap3A_306 = arith.constant 416 : index
    %swap3A_307 = tpu.vector_load %arg9[%swap3A_306] {strides = array<i32>} : memref<512xf32, #tpu.memory_space<vmem>>, vector<16xf32>,
    %swap3A_308 = vector.shape_cast %swap3A_307 : vector<16xf32> to vector<16xf32>
    %swap3A_309 = vector.shape_cast %add3A_305 : vector<16xf32> to vector<16xf32>
    tpu.vector_store %arg9[%swap3A_306], %swap3A_309 {strides = array<i32>} : memref<512xf32, #tpu.memory_space<vmem>>, vector<16xf32>,
    %get3A_310 = arith.constant 432 : index
    %get3A_311 = tpu.vector_load %arg9[%get3A_310] {strides = array<i32>} : memref<512xf32, #tpu.memory_space<vmem>>, vector<16xf32>,
    %get3A_312 = vector.shape_cast %get3A_311 : vector<16xf32> to vector<16xf32>
    %get3A_313 = arith.constant 432 : index
    %get3A_314 = tpu.vector_load %arg10[%get3A_313] {strides = array<i32>} : memref<512xf32, #tpu.memory_space<vmem>>, vector<16xf32>,
    %get3A_315 = vector.shape_cast %get3A_314 : vector<16xf32> to vector<16xf32>
    %add3A_316 = arith.addf %get3A_312, %get3A_315 : vector<16xf32>
    %swap3A_317 = arith.constant 432 : index
    %swap3A_318 = tpu.vector_load %arg9[%swap3A_317] {strides = array<i32>} : memref<512xf32, #tpu.memory_space<vmem>>, vector<16xf32>,
    %swap3A_319 = vector.shape_cast %swap3A_318 : vector<16xf32> to vector<16xf32>
    %swap3A_320 = vector.shape_cast %add3A_316 : vector<16xf32> to vector<16xf32>
    tpu.vector_store %arg9[%swap3A_317], %swap3A_320 {strides = array<i32>} : memref<512xf32, #tpu.memory_space<vmem>>, vector<16xf32>,
    %get3A_321 = arith.constant 448 : index
    %get3A_322 = tpu.vector_load %arg9[%get3A_321] {strides = array<i32>} : memref<512xf32, #tpu.memory_space<vmem>>, vector<16xf32>,
    %get3A_323 = vector.shape_cast %get3A_322 : vector<16xf32> to vector<16xf32>
    %get3A_324 = arith.constant 448 : index
    %get3A_325 = tpu.vector_load %arg10[%get3A_324] {strides = array<i32>} : memref<512xf32, #tpu.memory_space<vmem>>, vector<16xf32>,
    %get3A_326 = vector.shape_cast %get3A_325 : vector<16xf32> to vector<16xf32>
    %add3A_327 = arith.addf %get3A_323, %get3A_326 : vector<16xf32>
    %swap3A_328 = arith.constant 448 : index
    %swap3A_329 = tpu.vector_load %arg9[%swap3A_328] {strides = array<i32>} : memref<512xf32, #tpu.memory_space<vmem>>, vector<16xf32>,
    %swap3A_330 = vector.shape_cast %swap3A_329 : vector<16xf32> to vector<16xf32>
    %swap3A_331 = vector.shape_cast %add3A_327 : vector<16xf32> to vector<16xf32>
    tpu.vector_store %arg9[%swap3A_328], %swap3A_331 {strides = array<i32>} : memref<512xf32, #tpu.memory_space<vmem>>, vector<16xf32>,
    %get3A_332 = arith.constant 464 : index
    %get3A_333 = tpu.vector_load %arg9[%get3A_332] {strides = array<i32>} : memref<512xf32, #tpu.memory_space<vmem>>, vector<16xf32>,
    %get3A_334 = vector.shape_cast %get3A_333 : vector<16xf32> to vector<16xf32>
    %get3A_335 = arith.constant 464 : index
    %get3A_336 = tpu.vector_load %arg10[%get3A_335] {strides = array<i32>} : memref<512xf32, #tpu.memory_space<vmem>>, vector<16xf32>,
    %get3A_337 = vector.shape_cast %get3A_336 : vector<16xf32> to vector<16xf32>
    %add3A_338 = arith.addf %get3A_334, %get3A_337 : vector<16xf32>
    %swap3A_339 = arith.constant 464 : index
    %swap3A_340 = tpu.vector_load %arg9[%swap3A_339] {strides = array<i32>} : memref<512xf32, #tpu.memory_space<vmem>>, vector<16xf32>,
    %swap3A_341 = vector.shape_cast %swap3A_340 : vector<16xf32> to vector<16xf32>
    %swap3A_342 = vector.shape_cast %add3A_338 : vector<16xf32> to vector<16xf32>
    tpu.vector_store %arg9[%swap3A_339], %swap3A_342 {strides = array<i32>} : memref<512xf32, #tpu.memory_space<vmem>>, vector<16xf32>,
    %get3A_343 = arith.constant 480 : index
    %get3A_344 = tpu.vector_load %arg9[%get3A_343] {strides = array<i32>} : memref<512xf32, #tpu.memory_space<vmem>>, vector<16xf32>,
    %get3A_345 = vector.shape_cast %get3A_344 : vector<16xf32> to vector<16xf32>
    %get3A_346 = arith.constant 480 : index
    %get3A_347 = tpu.vector_load %arg10[%get3A_346] {strides = array<i32>} : memref<512xf32, #tpu.memory_space<vmem>>, vector<16xf32>,
    %get3A_348 = vector.shape_cast %get3A_347 : vector<16xf32> to vector<16xf32>
    %add3A_349 = arith.addf %get3A_345, %get3A_348 : vector<16xf32>
    %swap3A_350 = arith.constant 480 : index
    %swap3A_351 = tpu.vector_load %arg9[%swap3A_350] {strides = array<i32>} : memref<512xf32, #tpu.memory_space<vmem>>, vector<16xf32>,
    %swap3A_352 = vector.shape_cast %swap3A_351 : vector<16xf32> to vector<16xf32>
    %swap3A_353 = vector.shape_cast %add3A_349 : vector<16xf32> to vector<16xf32>
    tpu.vector_store %arg9[%swap3A_350], %swap3A_353 {strides = array<i32>} : memref<512xf32, #tpu.memory_space<vmem>>, vector<16xf32>,
    %get3A_354 = arith.constant 496 : index
    %get3A_355 = tpu.vector_load %arg9[%get3A_354] {strides = array<i32>} : memref<512xf32, #tpu.memory_space<vmem>>, vector<16xf32>,
    %get3A_356 = vector.shape_cast %get3A_355 : vector<16xf32> to vector<16xf32>
    %get3A_357 = arith.constant 496 : index
    %get3A_358 = tpu.vector_load %arg10[%get3A_357] {strides = array<i32>} : memref<512xf32, #tpu.memory_space<vmem>>, vector<16xf32>,
    %get3A_359 = vector.shape_cast %get3A_358 : vector<16xf32> to vector<16xf32>
    %add3A_360 = arith.addf %get3A_356, %get3A_359 : vector<16xf32>
    %swap3A_361 = arith.constant 496 : index
    %swap3A_362 = tpu.vector_load %arg9[%swap3A_361] {strides = array<i32>} : memref<512xf32, #tpu.memory_space<vmem>>, vector<16xf32>,
    %swap3A_363 = vector.shape_cast %swap3A_362 : vector<16xf32> to vector<16xf32>
    %swap3A_364 = vector.shape_cast %add3A_360 : vector<16xf32> to vector<16xf32>
    tpu.vector_store %arg9[%swap3A_361], %swap3A_364 {strides = array<i32>} : memref<512xf32, #tpu.memory_space<vmem>>, vector<16xf32>,
    "tpu.region"() ({
      %run_scoped3A = tpu.sem_alloc : memref<!tpu.dma_semaphore, #tpu.memory_space<semaphore_mem>>
      %dma_start3A_365 = tpu.memref_slice %arg6[%mul3A_2] : memref<16384xf32, #tpu.memory_space<hbm>> -> memref<512xf32, #tpu.memory_space<hbm>>
      %dma_start3A_366 = tpu.memref_slice %arg6[%mul3A_2] : memref<16384xf32, #tpu.memory_space<hbm>> -> memref<512xf32, #tpu.memory_space<hbm>>
      tpu.enqueue_dma source(%arg9 : memref<512xf32, #tpu.memory_space<vmem>>) target(%dma_start3A_366 : memref<512xf32, #tpu.memory_space<hbm>>) target_semaphore(%run_scoped3A : memref<!tpu.dma_semaphore, #tpu.memory_space<semaphore_mem>>)
      %dma_wait3A_367 = tpu.memref_slice %arg6[%mul3A_2] : memref<16384xf32, #tpu.memory_space<hbm>> -> memref<512xf32, #tpu.memory_space<hbm>>
      %dma_wait3A_368 = tpu.memref_slice %arg6[%mul3A_2] : memref<16384xf32, #tpu.memory_space<hbm>> -> memref<512xf32, #tpu.memory_space<hbm>>
      tpu.wait_dma2 semaphore(%run_scoped3A : memref<!tpu.dma_semaphore, #tpu.memory_space<semaphore_mem>>) src(%arg9 : memref<512xf32, #tpu.memory_space<vmem>>) dst(%dma_wait3A_368 : memref<512xf32, #tpu.memory_space<hbm>>)
      tpu.yield
    }) : () -> ()
    return
  }
}

module attributes {stable_mosaic.version = 14 : i64} {
  func.func @body(%arg0: i32, %arg1: memref<8192x256xf32, #tpu.memory_space<vmem>>, %arg2: memref<1x256xf32, #tpu.memory_space<vmem>>, %arg3: memref<8192xf32, #tpu.memory_space<vmem>>) attributes {dimension_semantics = [#tpu.dimension_semantics<arbitrary>], iteration_bounds = array<i64: 2>, scalar_prefetch = 0 : i64, scratch_operands = 0 : i64, tpu.core_type = #tpu.core_type<tc>, window_params = [{transform_indices = @transform_0, window_bounds = array<i64: 8192, 256>}, {pipeline_mode = #tpu.pipeline_mode<synchronous>, transform_indices = @transform_1, window_bounds = array<i64: 1, 256>}, {transform_indices = @transform_2, window_bounds = array<i64: 8192>}]} {
    %get3A = arith.constant 0 : index
    %get3A_0 = arith.constant 0 : index
    %get3A_1 = vector.load %arg2[%get3A, %get3A_0] : memref<1x256xf32, #tpu.memory_space<vmem>>, vector<1x256xf32>
    %get3A_2 = arith.constant 0 : index
    %get3A_3 = arith.constant 0 : index
    %get3A_4 = vector.load %arg1[%get3A_2, %get3A_3] : memref<8192x256xf32, #tpu.memory_space<vmem>>, vector<8192x256xf32>
    %dot_general3A = arith.constant dense<0.000000e+00> : vector<1x8192xf32>
    %dot_general3A_5 = tpu.matmul %get3A_1, %get3A_4, %dot_general3A {dimension_numbers = #tpu.dot_dimension_numbers<[1], [1], [0], [0], [0, 0, 1, 0], [], []>, transpose_lhs_hint = false} : vector<1x256xf32>, vector<8192x256xf32>, vector<1x8192xf32> -> vector<1x8192xf32>
    %squeeze3A = vector.shape_cast %dot_general3A_5 : vector<1x8192xf32> to vector<8192xf32>
    %swap3A = arith.constant 0 : index
    %swap3A_6 = vector.load %arg3[%swap3A] : memref<8192xf32, #tpu.memory_space<vmem>>, vector<8192xf32>
    tpu.vector_store %arg3[%swap3A], %squeeze3A {strides = array<i32>} : memref<8192xf32, #tpu.memory_space<vmem>>, vector<8192xf32>,
    return
  }
  func.func @transform_0(%arg0: i32) -> (i32, i32) {
    %c0_i32 = arith.constant 0 : i32
    %c0_i32_0 = arith.constant 0 : i32
    return %arg0, %c0_i32 : i32, i32
  }
  func.func @transform_1(%arg0: i32) -> (i32, i32) {
    %c0_i32 = arith.constant 0 : i32
    %c0_i32_0 = arith.constant 0 : i32
    %c0_i32_1 = arith.constant 0 : i32
    return %c0_i32, %c0_i32_0 : i32, i32
  }
  func.func @transform_2(%arg0: i32) -> i32 {
    %c0_i32 = arith.constant 0 : i32
    return %arg0 : i32
  }
}

</mosaic_0001>

<sc_bundles>
// kernel: kernel.4.cloned.1.call-start
scs
__scs_entry_jumppad:
0x0: {  	(pc) =	sbr.rel $0x88, $3  }
0x1: {  	(tag) =	ssettag $0x0;
	lr =	simm.s32 $0x1  }
0x2: {  	[smem:$0x3F9B] =	sst lr;
	_ =	strace $0xD0000000  }
0x3: {  	_ = 	snop  }
0x4: {  	_ = 	snop  }
0x5: {  	_ = 	snop  }
0x6: {  	_ = 	snop  }
0x7: {  	_ = 	snop  }
__scs_overlays_trampoline_lowered:
0x8: {  	[smem:$0x3FAA] =	sst s0  }
0x9: {  	[smem:$0x3FAB] =	sst s1  }
0xa: {  	[smem:$0x3FAC] =	sst s2  }
0xb: {  	[smem:$0x3FAD] =	sst s3  }
0xc: {  	[smem:$0x3FAE] =	sst s4  }
0xd: {  	[smem:$0x3FAF] =	sst s5  }
0xe: {  	[smem:$0x3FB0] =	sst s6  }
0xf: {  	[smem:$0x3FB1] =	sst s7  }
0x10: {  	[smem:$0x3FB2] =	sst s8  }
0x11: {  	[smem:$0x3FB3] =	sst s9;
	s0 =	simm.s32 @!p0 $0x0  }
0x12: {  	s1 =	sld [smem:$0x3F99];
	s0 =	simm.s32 @p0 $0x1  }
0x13: {  	[smem:$0x3FB4] =	sst s0;
	s0 =	simm.s32 @!p1 $0x0  }
0x14: {  	s2 =	sld [smem:$0x3F98];
	s0 =	simm.s32 @p1 $0x1  }
0x15: {  	[smem:$0x3FB5] =	sst s0;
	s0 =	simm.s32 @!p2 $0x0  }
0x16: {  	s3 =	sld [smem:$0x3FDB];
	s0 =	simm.s32 @p2 $0x1  }
0x17: {  	s4 =	simm.s32 $0x1BF5;
	[smem:$0x3FB7] =	sst s0  }
0x18: {  	s0 =	sld [smem:$0x3F9A];
	_ =	swait.ge [sflag:s4], $0x0  }
0x19: {  	s7 =	sld [smem:$0x3F9B]  }
0x1a: {  	s8 =	sadd.s32 $0xFFFFE003, lr  }
0x1b: {  	s9 =	sadd.s32 $0xFFFFFEF7, lr;
	s5 =	simm.s32 $0xFFFFFFFF;
	p2 =	slt.u32 s8, $0xFFFFF086  }
0x1c: {  	p1 =	slt.u32 s9, $0xF7A;
	s5 =	simm.s32 @!p2 $0x0  }
0x1d: {  	s5 =	simm.s32 @p1 $0x1;
	p0 =	seq.s32 s7, s2  }
0x1e: {  	s7 =	smul.u32 @!p0 $0xF7A, s2;
	p2 =	seq.s32 @!p0 s5, $0x0  }
0x1f: {  	s9 =	smul.u32 $0xF7A, s1;
	s8 =	simm.s32 @!p0 $0x1BF5;
	p2 =	por !p2, p0  }
0x20: {  	[sflag:s8] =	ssyncset.s32 @!p0 $0xFFFFF086;
	s6 =	sadd.s32 @!p0 s3, s7;
	s7 =	simm.s32 @!p0 $0x108  }
0x21: {  	s3 =	sadd.s32 s3, s9;
	s6 =	sadd.s32 @!p0 $0x88, s6;
	s7 =	simm.s32 @p2 $0x1082  }
0x22: {  	[simem:s7], [sflag:s8] =	dma.local @!p0 [hbm:s6], $0xF7A  }
0x23: {  	s9 =	sor.u32 $0xD0000000, s2;
	s6 =	simm.s32 $0x108;
	_ =	swait.ge @!p0 [sflag:s8], $0x0  }
0x24: {  	s3 =	sadd.s32 $0x88, s3;
	s6 =	simm.s32 @!p1 $0x1082;
	[sflag:s4] =	ssyncset.s32 $0xFFFFF086  }
0x25: {  	[simem:s6], [sflag:s4] =	dma.local [hbm:s3], $0xF7A  }
0x26: {  	[smem:$0x3F9B] =	sst s1;
	(tag) =	ssettag s2;
	_ =	strace s9  }
0x27: {  	s1 =	sld [smem:$0x3FAB]  }
0x28: {  	s2 =	sld [smem:$0x3FAC]  }
0x29: {  	s4 =	sld [smem:$0x3FAE]  }
0x2a: {  	p0 =	seq.s32 s5, $0x0;
	s5 =	sld [smem:$0x3FAF]  }
0x2b: {  	s6 =	sld [smem:$0x3FB0]  }
0x2c: {  	s7 =	sld [smem:$0x3FB1]  }
0x2d: {  	s3 =	simm.s32 $0x108;
	s8 =	sld [smem:$0x3FB2]  }
0x2e: {  	s3 =	simm.s32 @!p0 $0x1082;
	s9 =	sld [smem:$0x3FB3]  }
0x2f: {  	lr =	sadd.s32 s0, s3;
	s0 =	sld [smem:$0x3FAA]  }
0x30: {  	s3 =	sld [smem:$0x3FAD]  }
0x31: {  	[smem:$0x3FB6] =	sst s10  }
0x32: {  	s10 =	sld [smem:$0x3FB4];
	_ =	sdelay $0x3  }
0x33: {  	p0 =	seq.s32 s10, $0x1;
	s10 =	sld [smem:$0x3FB6];
	_ =	sdelay $0x3  }
0x34: {  	[smem:$0x3FB6] =	sst s10  }
0x35: {  	s10 =	sld [smem:$0x3FB5];
	_ =	sdelay $0x3  }
0x36: {  	p1 =	seq.s32 s10, $0x1;
	s10 =	sld [smem:$0x3FB6];
	_ =	sdelay $0x3  }
0x37: {  	[smem:$0x3FB6] =	sst s10  }
0x38: {  	s10 =	sld [smem:$0x3FB7]  }
0x39: {  	_ = 	snop;
	(pc) =	sbr.ind lr, $3  }
0x3a: {  	_ = 	snop  }
0x3b: {  	_ = 	snop  }
0x3c: {  	p2 =	seq.s32 s10, $0x1;
	s10 =	sld [smem:$0x3FB6]  }
0x3d: {  	_ =	shalt  }
0x3e: {  	_ =	shalt  }
0x3f: {  	_ =	shalt  }
0x40: {  	_ =	shalt  }
0x41: {  	_ =	shalt  }
0x42: {  	_ =	shalt  }
0x43: {  	_ =	shalt  }
0x44: {  	_ =	shalt  }
0x45: {  	_ =	shalt  }
0x46: {  	_ =	shalt  }
0x47: {  	_ =	shalt  }
0x48: {  	_ =	shalt  }
0x49: {  	_ =	shalt  }
0x4a: {  	_ =	shalt  }
0x4b: {  	_ =	shalt  }
0x4c: {  	_ =	shalt  }
0x4d: {  	_ =	shalt  }
0x4e: {  	_ =	shalt  }
0x4f: {  	_ =	shalt  }
0x50: {  	_ =	shalt  }
0x51: {  	_ =	shalt  }
0x52: {  	_ =	shalt  }
0x53: {  	_ =	shalt  }
0x54: {  	_ =	shalt  }
0x55: {  	_ =	shalt  }
0x56: {  	_ =	shalt  }
0x57: {  	_ =	shalt  }
0x58: {  	_ =	shalt  }
0x59: {  	_ =	shalt  }
0x5a: {  	_ =	shalt  }
0x5b: {  	_ =	shalt  }
0x5c: {  	_ =	shalt  }
0x5d: {  	_ =	shalt  }
0x5e: {  	_ =	shalt  }
0x5f: {  	_ =	shalt  }
0x60: {  	_ =	shalt  }
0x61: {  	_ =	shalt  }
0x62: {  	_ =	shalt  }
0x63: {  	_ =	shalt  }
0x64: {  	_ =	shalt  }
0x65: {  	_ =	shalt  }
0x66: {  	_ =	shalt  }
0x67: {  	_ =	shalt  }
0x68: {  	_ =	shalt  }
0x69: {  	_ =	shalt  }
0x6a: {  	_ =	shalt  }
0x6b: {  	_ =	shalt  }
0x6c: {  	_ =	shalt  }
0x6d: {  	_ =	shalt  }
0x6e: {  	_ =	shalt  }
0x6f: {  	_ =	shalt  }
0x70: {  	_ =	shalt  }
0x71: {  	_ =	shalt  }
0x72: {  	_ =	shalt  }
0x73: {  	_ =	shalt  }
0x74: {  	_ =	shalt  }
0x75: {  	_ =	shalt  }
0x76: {  	_ =	shalt  }
0x77: {  	_ =	shalt  }
0x78: {  	_ =	shalt  }
0x79: {  	_ =	shalt  }
0x7a: {  	_ =	shalt  }
0x7b: {  	_ =	shalt  }
0x7c: {  	_ =	shalt  }
0x7d: {  	_ =	shalt  }
0x7e: {  	_ =	shalt  }
0x7f: {  	_ =	shalt  }
0x80: {  	_ =	shalt  }
0x81: {  	_ =	shalt  }
0x82: {  	_ =	shalt  }
0x83: {  	_ =	shalt  }
0x84: {  	_ =	shalt  }
0x85: {  	_ =	shalt  }
0x86: {  	_ =	shalt  }
0x87: {  	_ =	shalt  }
.Lfunc_end0:
.L_simem_size_0:
called_computation_lowered:
.L_overlay_start_0:
0x88: {  	s2 =	sld [smem:$0x3FD9]  }
0x89: {  	s3 =	sld [smem:$0x3FFE];
	_ =	sdelay $0x1  }
0x8a: {  	s1 =	srdreg.scid  }
0x8b: {  	s0 =	sand.u32 $0x1, s1  }
0x8c: {  	s17 =	sshll.u32 s0, $0xA;
	s2 =	sadd.s32 s3, s2  }
0x8d: {  	s2 =	sadd.s32 s2, s17  }
0x8e: {  	[smem:$0x3FC2] =	sst s2  }
0x8f: {  	_ = 	snop  }
0x90: {  	s2 =	sld [smem:$0x3FC9]  }
0x91: {  	s18 =	sld [smem:$0x3FC8]  }
0x92: {  	s4 =	sld [smem:$0x3FD0];
	(tm) =	ssettm $0x1  }
0x93: {  	s5 =	sld [smem:$0x3FFB];
	_ =	sdelay $0x3  }
0x94: {  	_ =	strace s5  }
0x95: {  	s5 =	sld [smem:$0x3FFC];
	_ =	sdelay $0x3  }
0x96: {  	_ =	strace s5  }
0x97: {  	s5 =	sld [smem:$0x3FFD];
	_ =	sdelay $0x3  }
0x98: {  	_ =	strace s5  }
0x99: {  	_ =	strace $0x8FFFFFFF  }
0x9a: {  	s19 =	sld [smem:$0x3FDB];
	_ =	sdelay $0x1  }
0x9b: {  	s6 =	simm.s32 $_scs_section_size  }
0x9c: {  	s7 =	simm.s32 $_size__tile_overlayer_lowered;
	s8 =	simm.s32 $_tile_overlayer_lowered  }
0x9d: {  	s22 =	simm.s32 $0x1BFF;
	s21 =	sshll.u32 s8, $0x1;
	s5 =	sadd.s32 s6, s19  }
0x9e: {  	s9 =	simm.s32 $0x0;
	s20 =	sshll.u32 s7, $0x1;
	s7 =	sadd.s32 s21, s5  }
0x9f: {  	[timem:s9], [sflag:s22] =	dma.local [hbm:s7], s20  }
0xa0: {  	_ =	swait.ge [sflag:s22], s20  }
0xa1: {  	s6 =	ssub.s32 $0x0, s20;
	[sflag:s22] =	ssyncset.done $0x0  }
0xa2: {  	[sflag:s22] =	ssyncadd.s32 s6;
	_ =	sdelay $0x1  }
0xa3: {  	s23 =	simm.s32 $0x1B8B  }
0xa4: {  	_ =	swait.ge [sflag:s23], $0x1  }
0xa5: {  	[sflag:s23] =	ssyncset.done $0x0  }
0xa6: {  	s25 =	simm.s32 $0x1B8E;
	s24 =	sld [smem:$0x3FFE];
	[sflag:s23] =	ssyncadd.s32 $0xFFFFFFFF  }
0xa7: {  	s26 =	simm.s32 $execute0_lowered;
	[smem:$0x3FD2] =	sst s25  }
0xa8: {  	s7 =	sshll.u32 s26, $0x1;
	_ =	strace $0x80000046;
	[dreg:$0x1] =	wrdreg $0xFFFFFFFF  }
0xa9: {  	s28 =	simm.s32 $_size_execute0_lowered;
	s5 =	sadd.s32 s5, s7;
	[dreg:$0x0] =	wrdreg $0x0  }
0xaa: {  	s7 =	sshll.u32 s28, $0x1;
	[dreg:$0x2] =	wrdreg s5  }
0xab: {  	[dreg:$0x3] =	wrdreg s7  }
0xac: {  	[dreg:$0x4] =	wrdreg $0xC0  }
0xad: {  	_ =	task [dreg:s9], $0x5FFFF  }
0xae: {  	[dreg:$0x1] =	wrdreg $0xFFFFFFFF  }
0xaf: {  	[dreg:$0x0] =	wrdreg $0x60  }
0xb0: {  	[dreg:$0x2] =	wrdreg s24  }
0xb1: {  	[dreg:$0x3] =	wrdreg s2  }
0xb2: {  	[dreg:$0x4] =	wrdreg s18  }
0xb3: {  	[dreg:$0x5] =	wrdreg s4  }
0xb4: {  	[dreg:$0x6] =	wrdreg $0x8000  }
0xb5: {  	[dreg:$0x7] =	wrdreg $0x21000  }
0xb6: {  	[dreg:$0x8] =	wrdreg $0x9  }
0xb7: {  	_ =	task.clear_ibuf [dreg:s9], $0x9FFFF;
	_ =	strace $0x90000046  }
0xb8: {  	s29 =	simm.s32 $0x9;
	_ =	strace $0x80000048  }
0xb9: {  	_ =	swait.ge [sflag:s29], $0x1  }
0xba: {  	[sflag:s29] =	ssyncadd.s32 $0xFFFFFFFF  }
0xbb: {  	_ =	strace $0x90000048  }
0xbc: {  	_ =	sfence  }
0xbd: {  	s30 =	sld [smem:$0x0];
	_ =	sdelay $0x2  }
0xbe: {  	s31 =	sshll.u32 s1, $0xD;
	s1 =	sshrl.u32 s1, $0x2  }
0xbf: {  	s3 =	sand.u32 $0x4000, s31;
	s1 =	sadd.s32 s1, s30  }
0xc0: {  	s0 =	sor.u32 s3, s0;
	s1 =	sshll.u32 s1, $0x11  }
0xc1: {  	s0 =	sor.u32 s1, s0  }
0xc2: {  	s0 =	sadd.s32 $0x8F2B, s0  }
0xc3: {  	[sflag:s0] =	ssyncadd.remote.s32 $0x1  }
0xc4: {  	_ =	sfence.sel $0xFFFF  }
0xc5: {  	[dreg:$0x0] =	wrdreg $0xFFFFFFFF;
	(pc) =	sbr.abs _section_cstart, $3  }
0xc6: {  	[dreg:$0x1] =	wrdreg $0xFFFFFFFF  }
0xc7: {  	_ =	task.clear_ibuf [dreg:s9], $0x2FFFF;
	_ =	strace $0x9FFFFFFF  }
0xc8: {  	(tm) =	ssettm $0x7FFFFFFF  }
0xc9: {  	_ =	shalt  }
tec
execute0_lowered:
.L_overlay_start_1:
0x0: {  	(tag) =	ssettag $0x1  }
0x1: {  	s4 =	rddreg [dreg:$0x0]  }
0x2: {  	s7 =	rddreg [dreg:$0x1]  }
0x3: {  	s8 =	rddreg [dreg:$0x2]  }
0x4: {  	s9 =	rddreg [dreg:$0x3]  }
0x5: {  	s1 =	rddreg [dreg:$0x4]  }
0x6: {  	s2 =	rddreg [dreg:$0x5]  }
0x7: {  	s0 =	rddreg [dreg:$0x6]  }
0x8: {  	s11 =	stileid.u32;
	s3 =	simm.s32 $0x0;
	s6 =	srdreg.scid  }
0x9: {  	s15 =	simm.s32 $0x400;
	s16 =	simm.s32 $0x600;
	s17 =	simm.s32 $0x1  }
0xa: {  	s18 =	simm.s32 $0x2;
	s5 =	smul.u32 $0x1900, s11;
	[smem:$0x7FF] =	sst s3  }
0xb: {  	s6 =	sand.u32 $0x1, s6;
	s30 =	sshll.u32 s11, $0x7;
	s31 =	sshll.u32 s11, $0x6  }
0xc: {  	p0 =	sne.s32 s11, $0x0;
	_ =	strace $0x80000047;
	s12 =	ssub.s32 $0x2, s6  }
0xd: {  	s6 =	sshll.u32 s6, $0x6;
	s10 =	sshrl.u32 s5, $0x3;
	s13 =	sshrl.u32 s12, $0x1  }
0xe: {  	s14 =	sadd.s32 s5, s1;
	s10 =	sadd.s32 s10, s4;
	s4 =	sadd.s32 $0x3600, s4  }
0xf: {  	s12 =	ssub.s32 s12, s13;
	s13 =	sor.u32 s6, s30;
	s6 =	sor.u32 $0x1C03, s31  }
0x10: {  	s11 =	sshrl.u32 s14, $0x3;
	s14 =	simm.s32 $0x200;
	s5 =	sadd.s32 $0x400, s10  }
0x11: {  	s7 =	sadd.s32 s7, s13;
	s8 =	sadd.s32 s8, s13;
	s9 =	sadd.s32 s9, s13  }
0x12: {  	s10 =	smax.u32 s12, $0x1;
	s12 =	simm.s32 $0x3;
	s13 =	sshrl.u32 @!p0 s2, $0x3  }
.LBB2_1:
0x13: {  	[spmem:s11], [sflag:s6] =	dma.local [hbm:s5], $0x320  }
0x14: {  	_ =	swait.ge [sflag:s12], $0x320  }
0x15: {  	[sflag:s12] =	ssyncset.done $0x0  }
0x16: {  	s19 =	simm.s32 @!p0 $0x3;
	[sflag:s12] =	ssyncadd.s32 $0xFFFFFCE0  }
0x17: {  	[spmem:s13], [sflag:s6] =	dma.local @!p0 [hbm:s4], $0x20  }
0x18: {  	_ =	swait.ge @!p0 [sflag:s19], $0x20  }
0x19: {  	[sflag:s19] =	ssyncset.done @!p0 $0x0  }
0x1a: {  	[sflag:s19] =	ssyncadd.s32 @!p0 $0xFFFFFFE0  }
0x1b: {  	[tilespmem:s3], [sflag:$0x3] =	stream.linear.gather [hbm4b:s7+s3], $0x200, $0x38;
	[tilespmem:$0x2110] =	vst v63  }
0x1c: {  	_ =	swait.ge [sflag:s12], $0x200  }
0x1d: {  	[sflag:s12] =	ssyncset.done $0x0  }
0x1e: {  	[sflag:s12] =	ssyncadd.s32 $0xFFFFFE00  }
0x1f: {  	[tilespmem:s14], [sflag:$0x3] =	stream.linear.gather [hbm4b:s8+s3], $0x200, $0x38;
	[tilespmem:$0x2110] =	vst v63  }
0x20: {  	_ =	swait.ge [sflag:s12], $0x200  }
0x21: {  	[sflag:s12] =	ssyncset.done $0x0  }
0x22: {  	[sflag:s12] =	ssyncadd.s32 $0xFFFFFE00  }
0x23: {  	[bflag:$0x0] =	sbarrier.arrive $0xFFFF  }
0x24: {  	[tilespmem:s15], [sflag:$0x1] =	stream.indirect.gather [spmem:s1], $0x1, s3, s14, $0xb8;
	[tilespmem:$0x2110] =	vst v63  }
0x25: {  	_ = 	snop  }
0x26: {  	[tilespmem:s16], [sflag:$0x2] =	stream.indirect.gather [spmem:s2], $0x1, s14, s14, $0xb8;
	[tilespmem:$0x2110] =	vst v63  }
0x27: {  	_ =	swait.ge [sflag:s17], $0x200  }
0x28: {  	[sflag:s17] =	ssyncset.done $0x0  }
0x29: {  	[sflag:s17] =	ssyncadd.s32 $0xFFFFFE00  }
0x2a: {  	_ =	swait.ge [sflag:s18], $0x200  }
0x2b: {  	[sflag:s18] =	ssyncset.done $0x0  }
0x2c: {  	[sflag:s18] =	ssyncadd.s32 $0xFFFFFE00  }
0x2d: {  	v0 =	vld [tilespmem:$0x400]  }
0x2e: {  	v1 =	vld [tilespmem:$0x600]  }
0x2f: {  	v2 =	vld [tilespmem:$0x410]  }
0x30: {  	v3 =	vld [tilespmem:$0x610]  }
0x31: {  	v4 =	vld [tilespmem:$0x420]  }
0x32: {  	v5 =	vld [tilespmem:$0x620]  }
0x33: {  	v6 =	vld [tilespmem:$0x430]  }
0x34: {  	v7 =	vld [tilespmem:$0x630]  }
0x35: {  	v8 =	vld [tilespmem:$0x440]  }
0x36: {  	v9 =	vld [tilespmem:$0x640]  }
0x37: {  	v10 =	vld [tilespmem:$0x450]  }
0x38: {  	v11 =	vld [tilespmem:$0x650]  }
0x39: {  	v12 =	vld [tilespmem:$0x460]  }
0x3a: {  	v13 =	vld [tilespmem:$0x660]  }
0x3b: {  	v14 =	vld [tilespmem:$0x470]  }
0x3c: {  	v15 =	vld [tilespmem:$0x670]  }
0x3d: {  	v16 =	vld [tilespmem:$0x480]  }
0x3e: {  	v17 =	vld [tilespmem:$0x680]  }
0x3f: {  	v18 =	vld [tilespmem:$0x490]  }
0x40: {  	v19 =	vld [tilespmem:$0x690]  }
0x41: {  	v20 =	vld [tilespmem:$0x4A0]  }
0x42: {  	v21 =	vld [tilespmem:$0x6A0]  }
0x43: {  	v22 =	vld [tilespmem:$0x4B0]  }
0x44: {  	v23 =	vld [tilespmem:$0x6B0]  }
0x45: {  	v24 =	vld [tilespmem:$0x4C0]  }
0x46: {  	v25 =	vld [tilespmem:$0x6C0]  }
0x47: {  	v26 =	vld [tilespmem:$0x4D0]  }
0x48: {  	v27 =	vld [tilespmem:$0x6D0]  }
0x49: {  	v28 =	vld [tilespmem:$0x4E0]  }
0x4a: {  	v29 =	vld [tilespmem:$0x6E0]  }
0x4b: {  	v30 =	vld [tilespmem:$0x4F0]  }
0x4c: {  	v31 =	vld [tilespmem:$0x6F0]  }
0x4d: {  	v32 =	vld [tilespmem:$0x500]  }
0x4e: {  	v33 =	vld [tilespmem:$0x700]  }
0x4f: {  	v34 =	vld [tilespmem:$0x510]  }
0x50: {  	v35 =	vld [tilespmem:$0x710]  }
0x51: {  	v36 =	vld [tilespmem:$0x520]  }
0x52: {  	v46 =	vld [tilespmem:$0x720];
	v0 =	vadd.f32 v1, v0  }
0x53: {  	v47 =	vld [tilespmem:$0x530];
	v2 =	vadd.f32 v3, v2  }
0x54: {  	v49 =	vld [tilespmem:$0x730];
	v48 =	vadd.f32 v5, v4;
	[tilespmem:$0x400] =	vst v0  }
0x55: {  	v51 =	vld [tilespmem:$0x540];
	v50 =	vadd.f32 v7, v6;
	[tilespmem:$0x410] =	vst v2  }
0x56: {  	v53 =	vld [tilespmem:$0x740];
	v52 =	vadd.f32 v9, v8;
	[tilespmem:$0x420] =	vst v48  }
0x57: {  	v55 =	vld [tilespmem:$0x550];
	v54 =	vadd.f32 v11, v10;
	[tilespmem:$0x430] =	vst v50  }
0x58: {  	v57 =	vld [tilespmem:$0x750];
	v56 =	vadd.f32 v13, v12;
	[tilespmem:$0x440] =	vst v52  }
0x59: {  	v59 =	vld [tilespmem:$0x560];
	v58 =	vadd.f32 v15, v14;
	[tilespmem:$0x450] =	vst v54  }
0x5a: {  	v61 =	vld [tilespmem:$0x760];
	v60 =	vadd.f32 v17, v16;
	[tilespmem:$0x460] =	vst v56  }
0x5b: {  	v63 =	vld [tilespmem:$0x570];
	v62 =	vadd.f32 v19, v18;
	[tilespmem:$0x470] =	vst v58  }
0x5c: {  	v37 =	vld [tilespmem:$0x5A0];
	v20 =	vadd.f32 v21, v20;
	[tilespmem:$0x480] =	vst v60  }
0x5d: {  	v39 =	vld [tilespmem:$0x7A0];
	v22 =	vadd.f32 v23, v22;
	[tilespmem:$0x490] =	vst v62  }
0x5e: {  	v41 =	vld [tilespmem:$0x5B0];
	v24 =	vadd.f32 v25, v24;
	[tilespmem:$0x4A0] =	vst v20  }
0x5f: {  	v43 =	vld [tilespmem:$0x7B0];
	v26 =	vadd.f32 v27, v26;
	[tilespmem:$0x4B0] =	vst v22  }
0x60: {  	v45 =	vld [tilespmem:$0x5C0];
	v28 =	vadd.f32 v29, v28;
	[tilespmem:$0x4C0] =	vst v24  }
0x61: {  	v21 =	vld [tilespmem:$0x770];
	v31 =	vadd.f32 v31, v30;
	[tilespmem:$0x4D0] =	vst v26  }
0x62: {  	v23 =	vld [tilespmem:$0x580];
	v38 =	vadd.f32 v33, v32;
	[tilespmem:$0x4E0] =	vst v28  }
0x63: {  	v25 =	vld [tilespmem:$0x780];
	v40 =	vadd.f32 v35, v34;
	[tilespmem:$0x4F0] =	vst v31  }
0x64: {  	v27 =	vld [tilespmem:$0x590];
	v42 =	vadd.f32 v46, v36;
	[tilespmem:$0x500] =	vst v38  }
0x65: {  	v29 =	vld [tilespmem:$0x790];
	v44 =	vadd.f32 v49, v47;
	[tilespmem:$0x510] =	vst v40  }
0x66: {  	v46 =	vadd.f32 v53, v51;
	v47 =	vld [tilespmem:$0x7C0];
	[tilespmem:$0x520] =	vst v42  }
0x67: {  	v49 =	vld [tilespmem:$0x5D0];
	v1 =	vadd.f32 v43, v41;
	[tilespmem:$0x530] =	vst v44  }
0x68: {  	v51 =	vld [tilespmem:$0x7D0];
	v48 =	vadd.f32 v57, v55;
	[tilespmem:$0x540] =	vst v46  }
0x69: {  	v53 =	vld [tilespmem:$0x5E0];
	v50 =	vadd.f32 v61, v59;
	[tilespmem:$0x5B0] =	vst v1  }
0x6a: {  	v55 =	vld [tilespmem:$0x7E0];
	v58 =	vadd.f32 v39, v37;
	[tilespmem:$0x550] =	vst v48  }
0x6b: {  	v57 =	vld [tilespmem:$0x5F0];
	[tilespmem:$0x560] =	vst v50;
	v52 =	vadd.f32 v21, v63  }
0x6c: {  	v59 =	vld [tilespmem:$0x7F0];
	[tilespmem:$0x5A0] =	vst v58;
	v54 =	vadd.f32 v25, v23  }
0x6d: {  	v56 =	vadd.f32 v29, v27;
	[tilespmem:$0x570] =	vst v52  }
0x6e: {  	v60 =	vadd.f32 v47, v45;
	[tilespmem:$0x580] =	vst v54  }
0x6f: {  	v61 =	vadd.f32 v51, v49;
	[tilespmem:$0x590] =	vst v56  }
0x70: {  	[tilespmem:$0x5C0] =	vst v60;
	v62 =	vadd.f32 v55, v53  }
0x71: {  	s10 =	sadd.s32 $0xFFFFFFFF, s10;
	[tilespmem:$0x5D0] =	vst v61;
	v63 =	vadd.f32 v59, v57  }
0x72: {  	p1 =	sne.s32 s10, $0x0;
	[tilespmem:$0x5E0] =	vst v62  }
.Ltmp0:
0x73: {  	[tilespmem:$0x5F0] =	vst v63;
	(pc) =	sbr.rel @p1 .LBB2_1-.Ltmp0, $4  }
0x74: {  	[hbm4b:s9+s3] =	stream.linear.scatter [tilespmem:s15], [sflag:$0x3], $0x200, $0x38;
	[tilespmem:$0x2110] =	vst v63  }
0x75: {  	_ =	swait.ge [sflag:s12], $0x200  }
0x76: {  	[sflag:s12] =	ssyncset.done $0x0  }
0x77: {  	[sflag:s12] =	ssyncadd.s32 $0xFFFFFE00  }
0x78: {  	_ =	sfence.sel $0x180000  }
0x79: {  	[bflag:$0x0] =	sbarrier.arrive $0xFFFF  }
0x7a: {  	_ =	strace $0x90000047  }
0x7b: {  	s0 =	sadd.s32 @!p0 $0x100000, s0;
	[bflag:$0x2] =	sbarrier.arrive $0xFFFF  }
0x7c: {  	[sflag:s0] =	ssyncadd.tile.s32 @!p0 $0x1;
	_ =	shalt  }
.Lfunc_end2:
_tile_overlayer_lowered:
.L_overlay_start_2:
0x7d: {  	(tag) =	ssettag $0x2  }
0x7e: {  	s0 =	rddreg [dreg:$0x0];
	s2 =	stileid.u32  }
0x7f: {  	s1 =	rddreg [dreg:$0x1];
	p0 =	sne.s32 s2, $0x0  }
0x80: {  	s3 =	rddreg [dreg:$0x2];
	[bflag:$0x3] =	sbarrier.arrive $0xFFFF;
	s2 =	simm.s32 @!p0 $0x1C03  }
0x81: {  	[timem:s3], [sflag:s2] =	dma.local @!p0 [hbm:s0], s1  }
0x82: {  	s0 =	simm.s32 @!p0 $0x3  }
0x83: {  	_ =	swait.ge @!p0 [sflag:s0], s1  }
0x84: {  	s1 =	ssub.s32 @!p0 $0x0, s1;
	[sflag:s0] =	ssyncset.done @!p0 $0x0  }
0x85: {  	[sflag:s0] =	ssyncadd.s32 @!p0 s1  }
0x86: {  	[bflag:$0x3] =	sbarrier.arrive $0xFFFF  }
0x87: {  	_ =	shalt  }

</sc_bundles>
